<compile_context>
chip_gen: v7x
topology: tpu7x:2x2x1
jax: 0.10.2.dev20260603
libtpu: 0.0.44.dev20260713+nightly
codegen_flags: <defaults>
</compile_context>

<pallas_src>
import math

import jax
import jax.numpy as jnp
from jax import lax
from jax.experimental import pallas as pl
from jax.experimental.pallas import tpu as pltpu
from jax.experimental.pallas import tpu_sc as plsc

_NC = 2
_NS = 16
_NW = _NC * _NS

_BATCH = 4
_SEQ = 2048
_D = 128
_TOKENS = _BATCH * _SEQ
_B_PER_W = _TOKENS // _NW
_CHUNKS = _B_PER_W // 128
_GROUP = _SEQ // _B_PER_W

_SCALE = 1.0 / math.sqrt(2.0 * math.log(_D))


def _sc_gather_body(table_hbm, x_hbm, out_hbm, idx_v, rows_v, sem):
    wid = lax.axis_index("s") * _NC + lax.axis_index("c")
    b = wid // _GROUP
    s0 = (wid % _GROUP) * _B_PER_W
    idx_cps = [
        pltpu.async_copy(
            x_hbm.at[b, pl.ds(s0 + j * 128, 128)], idx_v.at[j], sem)
        for j in range(_CHUNKS)
    ]
    for c in idx_cps:
        c.wait()
    copies = []
    for j in range(_CHUNKS):
        copies.append(
            pltpu.async_copy(
                table_hbm.at[idx_v.at[j]],
                rows_v.at[pl.ds(j * 128, 128)],
                sem,
            )
        )
    for c in copies:
        c.wait()
    pltpu.sync_copy(rows_v, out_hbm.at[b, pl.ds(s0, _B_PER_W)])


def _sc_gather(word_table, x):
    mesh = plsc.VectorSubcoreMesh(
        core_axis_name="c", subcore_axis_name="s",
        num_cores=_NC, num_subcores=_NS,
    )
    return pl.kernel(
        _sc_gather_body,
        out_type=jax.ShapeDtypeStruct((_BATCH, _SEQ, _D), jnp.float32),
        mesh=mesh,
        scratch_types=[
            pltpu.VMEM((_CHUNKS, 128), jnp.int32),
            pltpu.VMEM((_B_PER_W, _D), jnp.float32),
            pltpu.SemaphoreType.DMA,
        ],
    )(word_table, x)


_H = _SEQ // 2


def _tc_norm_body(gw_ref, seg_ref, pos_ref, type_ref, gamma_ref, beta_ref,
                  out_ref, y0_ref, y1_ref, mm_ref, iv_ref):
    b = pl.program_id(0)
    h = pl.program_id(1)
    t0 = type_ref[0:1, :]
    t1 = type_ref[1:2, :]
    beta = beta_ref[0:1, :]

    def center_half(hh, ybuf):
        gw = gw_ref[0]
        segf = seg_ref[b, hh * _H:(hh + 1) * _H].astype(jnp.float32)
        pos = pos_ref[hh * _H:(hh + 1) * _H, :]
        emb = gw + pos + t0 + segf[:, None] * (t1 - t0)
        mean = jnp.mean(emb, axis=-1, keepdims=True)
        y = emb - mean
        ybuf[...] = y
        return (jnp.min(y, axis=0, keepdims=True),
                jnp.max(y, axis=0, keepdims=True))

    @pl.when(h == 0)
    def _():
        mn, mx = center_half(0, y0_ref)
        mm_ref[0:1, :] = mn
        mm_ref[1:2, :] = mx

    @pl.when(h == 1)
    def _():
        mn, mx = center_half(1, y1_ref)
        mn = jnp.minimum(mn, mm_ref[0:1, :])
        mx = jnp.maximum(mx, mm_ref[1:2, :])
        inv = gamma_ref[0:1, :] / ((mx - mn) * _SCALE)
        iv_ref[...] = inv
        out_ref[0] = y0_ref[...] * inv + beta

    @pl.when(h == 2)
    def _():
        out_ref[0] = y1_ref[...] * iv_ref[...] + beta


def _tc_norm(gathered, seg, pos_table, type_table, gamma, beta):
    return pl.pallas_call(
        _tc_norm_body,
        grid=(_BATCH, 3),
        in_specs=[
            pl.BlockSpec((1, _H, _D), lambda b, h: (b, jnp.minimum(h, 1), 0)),
            pl.BlockSpec((_BATCH, _SEQ), lambda b, h: (0, 0)),
            pl.BlockSpec((_SEQ, _D), lambda b, h: (0, 0)),
            pl.BlockSpec((2, _D), lambda b, h: (0, 0)),
            pl.BlockSpec((1, _D), lambda b, h: (0, 0)),
            pl.BlockSpec((1, _D), lambda b, h: (0, 0)),
        ],
        out_specs=pl.BlockSpec(
            (1, _H, _D), lambda b, h: (b, jnp.maximum(h - 1, 0), 0)),
        out_shape=jax.ShapeDtypeStruct((_BATCH, _SEQ, _D), jnp.float32),
        scratch_shapes=[
            pltpu.VMEM((_H, _D), jnp.float32),
            pltpu.VMEM((_H, _D), jnp.float32),
            pltpu.VMEM((2, _D), jnp.float32),
            pltpu.VMEM((1, _D), jnp.float32),
        ],
    )(gathered, seg, pos_table, type_table,
      gamma.reshape(1, _D), beta.reshape(1, _D))


def kernel(x, seg, word_table, pos_table, type_table, gamma, beta):
    if x.dtype != jnp.int32:
        x = x.astype(jnp.int32)
    if seg.dtype != jnp.int32:
        seg = seg.astype(jnp.int32)
    gathered = _sc_gather(word_table, x)
    return _tc_norm(gathered, seg, pos_table, type_table, gamma, beta)

# --- scband reference (transcript-rebuilt; emitter-appended) ---
"""Pipeline reference for scband-bert-embedding-18597208392103 (READ-ONLY COPY).

The authoritative reference and input builder live on the scoring server;
editing this copy changes nothing except your own understanding.
"""

import jax, jax.numpy as jnp
import numpy as np
import math

VOCAB_SIZE = 100000
SEQ_LEN = 2048
N_SEGMENTS = 2
D_MODEL = 128
BATCH = 4


def setup_inputs(seed: int = 0) -> dict:
    key = jax.random.key(seed)
    k1, k2, k3, k4, k5, k6, k7 = jax.random.split(key, 7)
    x = jax.random.randint(k1, (BATCH, SEQ_LEN), 0, VOCAB_SIZE, dtype=jnp.int64 if jax.config.jax_enable_x64 else jnp.int32)
    seg = jax.random.randint(k2, (BATCH, SEQ_LEN), 0, N_SEGMENTS, dtype=jnp.int64 if jax.config.jax_enable_x64 else jnp.int32)
    word_table = jax.random.normal(k3, (VOCAB_SIZE, D_MODEL), dtype=jnp.float32) * 0.02
    pos_table = jax.random.normal(k4, (SEQ_LEN, D_MODEL), dtype=jnp.float32) * 0.02
    type_table = jax.random.normal(k5, (N_SEGMENTS, D_MODEL), dtype=jnp.float32) * 0.02
    gamma = jax.random.normal(k6, (D_MODEL,), dtype=jnp.float32) * 0.05
    beta = jax.random.normal(k7, (D_MODEL,), dtype=jnp.float32) * 0.05
    return {"x": x, "seg": seg, "word_table": word_table, "pos_table": pos_table, "type_table": type_table, "gamma": gamma, "beta": beta}


def reference(x, seg, word_table, pos_table, type_table, gamma, beta):
    batch_size, seq_len = x.shape
    d_model = word_table.shape[1]
    # position ids broadcast over batch
    pos = jnp.broadcast_to(jnp.arange(seq_len)[None, :], (batch_size, seq_len))
    # embedding lookups (gather). n_partitions=1 so PartitionEmbedding is a single table lookup.
    emb = jnp.take(word_table, x, axis=0) + jnp.take(type_table, seg, axis=0) + jnp.take(pos_table, pos, axis=0)
    # DynamicLayerNormalization
    mean = jnp.mean(emb, axis=-1, keepdims=True)
    y = emb - mean
    xmin = jnp.min(y, axis=-2, keepdims=True)
    xmax = jnp.max(y, axis=-2, keepdims=True)
    scale_adjustment = 1.0 / math.sqrt(2.0 * np.log(d_model))
    out = y / ((xmax - xmin) * scale_adjustment)
    out = out * gamma + beta
    return out

if __name__ == "__main__":
    import jax
    _d = setup_inputs()
    print(jax.jit(kernel)(*tuple(_d.values())))

</pallas_src>

<mosaic_0001>
#map = affine_map<(d0, d1) -> (0, 0)>
#map1 = affine_map<(d0, d1) -> (0, 0, 0)>
module attributes {stable_mosaic.version = 14 : i64} {
  func.func @_sc_gather_body(%arg0: i32, %arg1: i32, %arg2: memref<100000x128xf32, #tpu.memory_space<hbm>>, %arg3: memref<4x2048xi32, #tpu.memory_space<hbm>>, %arg4: memref<4x2048x128xf32, #tpu.memory_space<hbm>>, %arg5: memref<2x128xi32, #tpu.memory_space<vmem>>, %arg6: memref<256x128xf32, #tpu.memory_space<vmem>>, %arg7: memref<!tpu.dma_semaphore, #tpu.memory_space<semaphore_mem>>) attributes {dimension_semantics = [#tpu.dimension_semantics<core_parallel>, #tpu.dimension_semantics<subcore_parallel>], iteration_bounds = array<i64: 2, 16>, scalar_prefetch = 0 : i64, scratch_operands = 3 : i64, tpu.core_type = #tpu.core_type<sc_vector_subcore>, window_params = [{transform_indices = #map}, {transform_indices = #map}, {transform_indices = #map1}]} {
    %mul3A = arith.constant 2 : i32
    %mul3A_0 = arith.muli %arg1, %mul3A : i32
    %add3A = arith.addi %mul3A_0, %arg0 : i32
    %jit3A = arith.constant 8 : i32
    %div3A = arith.divsi %add3A, %jit3A : i32
    %sign3A = arith.constant 0 : i32
    %sign3A_1 = arith.cmpi sgt, %add3A, %sign3A : i32
    %sign3A_2 = arith.extui %sign3A_1 : i1 to i32
    %sign3A_3 = arith.constant 0 : i32
    %sign3A_4 = arith.cmpi slt, %add3A, %sign3A_3 : i32
    %sign3A_5 = arith.extui %sign3A_4 : i1 to i32
    %sign3A_6 = arith.subi %sign3A_2, %sign3A_5 : i32
    %sign3A_7 = arith.constant 0 : i32
    %sign3A_8 = arith.cmpi sgt, %jit3A, %sign3A_7 : i32
    %sign3A_9 = arith.extui %sign3A_8 : i1 to i32
    %sign3A_10 = arith.constant 0 : i32
    %sign3A_11 = arith.cmpi slt, %jit3A, %sign3A_10 : i32
    %sign3A_12 = arith.extui %sign3A_11 : i1 to i32
    %sign3A_13 = arith.subi %sign3A_9, %sign3A_12 : i32
    %ne3A = arith.cmpi ne, %sign3A_6, %sign3A_13 : i32
    %rem3A = arith.remsi %add3A, %jit3A : i32
    %ne3A_14 = arith.constant 0 : i32
    %ne3A_15 = arith.cmpi ne, %rem3A, %ne3A_14 : i32
    %and3A = arith.andi %ne3A, %ne3A_15 : i1
    %sub3A = arith.constant 1 : i32
    %sub3A_16 = arith.subi %div3A, %sub3A : i32
    %select_n3A = arith.select %and3A, %sub3A_16, %div3A : i32
    %jit3A_17 = arith.constant 8 : i32
    %eq3A = arith.constant 0 : i32
    %eq3A_18 = arith.cmpi eq, %jit3A_17, %eq3A : i32
    %jit3A_19 = arith.constant 1 : i32
    %select_n3A_20 = arith.select %eq3A_18, %jit3A_19, %jit3A_17 : i32
    %rem3A_21 = arith.remsi %add3A, %select_n3A_20 : i32
    %ne3A_22 = arith.constant 0 : i32
    %ne3A_23 = arith.cmpi ne, %rem3A_21, %ne3A_22 : i32
    %lt3A = arith.constant 0 : i32
    %lt3A_24 = arith.cmpi slt, %rem3A_21, %lt3A : i32
    %lt3A_25 = arith.constant 0 : i32
    %lt3A_26 = arith.cmpi slt, %select_n3A_20, %lt3A_25 : i32
    %ne3A_27 = arith.xori %lt3A_24, %lt3A_26 : i1
    %and3A_28 = arith.andi %ne3A_27, %ne3A_23 : i1
    %add3A_29 = arith.addi %rem3A_21, %select_n3A_20 : i32
    %select_n3A_30 = arith.select %and3A_28, %add3A_29, %rem3A_21 : i32
    %mul3A_31 = arith.constant 256 : i32
    %mul3A_32 = arith.muli %select_n3A_30, %mul3A_31 : i32
    %add3A_33 = arith.constant 0 : i32
    %add3A_34 = arith.addi %mul3A_32, %add3A_33 : i32
    %dma_start3A = arith.constant 0 : i32
    %dma_start3A_35 = arith.constant 0 : i32
    %dma_start3A_36 = tpu.memref_slice %arg5[%dma_start3A, %dma_start3A_35] : memref<2x128xi32, #tpu.memory_space<vmem>> -> memref<1x128xi32, #tpu.memory_space<vmem>>
    %dma_start3A_37 = tpu.memref_squeeze %dma_start3A_36 : memref<1x128xi32, #tpu.memory_space<vmem>> -> memref<128xi32, #tpu.memory_space<vmem>>
    %dma_start3A_38 = tpu.memref_slice %arg3[%select_n3A, %add3A_34] : memref<4x2048xi32, #tpu.memory_space<hbm>> -> memref<1x128xi32, #tpu.memory_space<hbm>>
    %dma_start3A_39 = tpu.memref_squeeze %dma_start3A_38 : memref<1x128xi32, #tpu.memory_space<hbm>> -> memref<128xi32, #tpu.memory_space<hbm>>
    %dma_start3A_40 = arith.constant 0 : i32
    %dma_start3A_41 = tpu.memref_slice %arg5[%dma_start3A, %dma_start3A_40] : memref<2x128xi32, #tpu.memory_space<vmem>> -> memref<1x128xi32, #tpu.memory_space<vmem>>
    %dma_start3A_42 = tpu.memref_squeeze %dma_start3A_41 : memref<1x128xi32, #tpu.memory_space<vmem>> -> memref<128xi32, #tpu.memory_space<vmem>>
    %dma_start3A_43 = tpu.memref_slice %arg3[%select_n3A, %add3A_34] : memref<4x2048xi32, #tpu.memory_space<hbm>> -> memref<1x128xi32, #tpu.memory_space<hbm>>
    %dma_start3A_44 = tpu.memref_squeeze %dma_start3A_43 : memref<1x128xi32, #tpu.memory_space<hbm>> -> memref<128xi32, #tpu.memory_space<hbm>>
    tpu.enqueue_dma source(%dma_start3A_44 : memref<128xi32, #tpu.memory_space<hbm>>) target(%dma_start3A_42 : memref<128xi32, #tpu.memory_space<vmem>>) target_semaphore(%arg7 : memref<!tpu.dma_semaphore, #tpu.memory_space<semaphore_mem>>)
    %add3A_45 = arith.constant 128 : i32
    %add3A_46 = arith.addi %mul3A_32, %add3A_45 : i32
    %dma_start3A_47 = arith.constant 1 : i32
    %dma_start3A_48 = arith.constant 0 : i32
    %dma_start3A_49 = tpu.memref_slice %arg5[%dma_start3A_47, %dma_start3A_48] : memref<2x128xi32, #tpu.memory_space<vmem>> -> memref<1x128xi32, #tpu.memory_space<vmem>>
    %dma_start3A_50 = tpu.memref_squeeze %dma_start3A_49 : memref<1x128xi32, #tpu.memory_space<vmem>> -> memref<128xi32, #tpu.memory_space<vmem>>
    %dma_start3A_51 = tpu.memref_slice %arg3[%select_n3A, %add3A_46] : memref<4x2048xi32, #tpu.memory_space<hbm>> -> memref<1x128xi32, #tpu.memory_space<hbm>>
    %dma_start3A_52 = tpu.memref_squeeze %dma_start3A_51 : memref<1x128xi32, #tpu.memory_space<hbm>> -> memref<128xi32, #tpu.memory_space<hbm>>
    %dma_start3A_53 = arith.constant 0 : i32
    %dma_start3A_54 = tpu.memref_slice %arg5[%dma_start3A_47, %dma_start3A_53] : memref<2x128xi32, #tpu.memory_space<vmem>> -> memref<1x128xi32, #tpu.memory_space<vmem>>
    %dma_start3A_55 = tpu.memref_squeeze %dma_start3A_54 : memref<1x128xi32, #tpu.memory_space<vmem>> -> memref<128xi32, #tpu.memory_space<vmem>>
    %dma_start3A_56 = tpu.memref_slice %arg3[%select_n3A, %add3A_46] : memref<4x2048xi32, #tpu.memory_space<hbm>> -> memref<1x128xi32, #tpu.memory_space<hbm>>
    %dma_start3A_57 = tpu.memref_squeeze %dma_start3A_56 : memref<1x128xi32, #tpu.memory_space<hbm>> -> memref<128xi32, #tpu.memory_space<hbm>>
    tpu.enqueue_dma source(%dma_start3A_57 : memref<128xi32, #tpu.memory_space<hbm>>) target(%dma_start3A_55 : memref<128xi32, #tpu.memory_space<vmem>>) target_semaphore(%arg7 : memref<!tpu.dma_semaphore, #tpu.memory_space<semaphore_mem>>)
    %dma_wait3A = arith.constant 0 : i32
    %dma_wait3A_58 = arith.constant 0 : i32
    %dma_wait3A_59 = tpu.memref_slice %arg5[%dma_wait3A, %dma_wait3A_58] : memref<2x128xi32, #tpu.memory_space<vmem>> -> memref<1x128xi32, #tpu.memory_space<vmem>>
    %dma_wait3A_60 = tpu.memref_squeeze %dma_wait3A_59 : memref<1x128xi32, #tpu.memory_space<vmem>> -> memref<128xi32, #tpu.memory_space<vmem>>
    %dma_wait3A_61 = tpu.memref_slice %arg3[%select_n3A, %add3A_34] : memref<4x2048xi32, #tpu.memory_space<hbm>> -> memref<1x128xi32, #tpu.memory_space<hbm>>
    %dma_wait3A_62 = tpu.memref_squeeze %dma_wait3A_61 : memref<1x128xi32, #tpu.memory_space<hbm>> -> memref<128xi32, #tpu.memory_space<hbm>>
    %dma_wait3A_63 = arith.constant 0 : i32
    %dma_wait3A_64 = tpu.memref_slice %arg5[%dma_wait3A, %dma_wait3A_63] : memref<2x128xi32, #tpu.memory_space<vmem>> -> memref<1x128xi32, #tpu.memory_space<vmem>>
    %dma_wait3A_65 = tpu.memref_squeeze %dma_wait3A_64 : memref<1x128xi32, #tpu.memory_space<vmem>> -> memref<128xi32, #tpu.memory_space<vmem>>
    %dma_wait3A_66 = tpu.memref_slice %arg3[%select_n3A, %add3A_34] : memref<4x2048xi32, #tpu.memory_space<hbm>> -> memref<1x128xi32, #tpu.memory_space<hbm>>
    %dma_wait3A_67 = tpu.memref_squeeze %dma_wait3A_66 : memref<1x128xi32, #tpu.memory_space<hbm>> -> memref<128xi32, #tpu.memory_space<hbm>>
    tpu.wait_dma2 semaphore(%arg7 : memref<!tpu.dma_semaphore, #tpu.memory_space<semaphore_mem>>) src(%dma_wait3A_67 : memref<128xi32, #tpu.memory_space<hbm>>) dst(%dma_wait3A_65 : memref<128xi32, #tpu.memory_space<vmem>>)
    %dma_wait3A_68 = arith.constant 1 : i32
    %dma_wait3A_69 = arith.constant 0 : i32
    %dma_wait3A_70 = tpu.memref_slice %arg5[%dma_wait3A_68, %dma_wait3A_69] : memref<2x128xi32, #tpu.memory_space<vmem>> -> memref<1x128xi32, #tpu.memory_space<vmem>>
    %dma_wait3A_71 = tpu.memref_squeeze %dma_wait3A_70 : memref<1x128xi32, #tpu.memory_space<vmem>> -> memref<128xi32, #tpu.memory_space<vmem>>
    %dma_wait3A_72 = tpu.memref_slice %arg3[%select_n3A, %add3A_46] : memref<4x2048xi32, #tpu.memory_space<hbm>> -> memref<1x128xi32, #tpu.memory_space<hbm>>
    %dma_wait3A_73 = tpu.memref_squeeze %dma_wait3A_72 : memref<1x128xi32, #tpu.memory_space<hbm>> -> memref<128xi32, #tpu.memory_space<hbm>>
    %dma_wait3A_74 = arith.constant 0 : i32
    %dma_wait3A_75 = tpu.memref_slice %arg5[%dma_wait3A_68, %dma_wait3A_74] : memref<2x128xi32, #tpu.memory_space<vmem>> -> memref<1x128xi32, #tpu.memory_space<vmem>>
    %dma_wait3A_76 = tpu.memref_squeeze %dma_wait3A_75 : memref<1x128xi32, #tpu.memory_space<vmem>> -> memref<128xi32, #tpu.memory_space<vmem>>
    %dma_wait3A_77 = tpu.memref_slice %arg3[%select_n3A, %add3A_46] : memref<4x2048xi32, #tpu.memory_space<hbm>> -> memref<1x128xi32, #tpu.memory_space<hbm>>
    %dma_wait3A_78 = tpu.memref_squeeze %dma_wait3A_77 : memref<1x128xi32, #tpu.memory_space<hbm>> -> memref<128xi32, #tpu.memory_space<hbm>>
    tpu.wait_dma2 semaphore(%arg7 : memref<!tpu.dma_semaphore, #tpu.memory_space<semaphore_mem>>) src(%dma_wait3A_78 : memref<128xi32, #tpu.memory_space<hbm>>) dst(%dma_wait3A_76 : memref<128xi32, #tpu.memory_space<vmem>>)
    %dma_start3A_79 = arith.constant 0 : i32
    %dma_start3A_80 = arith.constant 0 : i32
    %dma_start3A_81 = arith.constant 0 : i32
    %dma_start3A_82 = tpu.memref_slice %arg6[%dma_start3A_80, %dma_start3A_81] : memref<256x128xf32, #tpu.memory_space<vmem>> -> memref<128x128xf32, #tpu.memory_space<vmem>>
    %dma_start3A_83 = arith.constant 0 : i32
    %dma_start3A_84 = tpu.memref_slice %arg5[%dma_start3A_79, %dma_start3A_83] : memref<2x128xi32, #tpu.memory_space<vmem>> -> memref<1x128xi32, #tpu.memory_space<vmem>>
    %dma_start3A_85 = tpu.memref_squeeze %dma_start3A_84 : memref<1x128xi32, #tpu.memory_space<vmem>> -> memref<128xi32, #tpu.memory_space<vmem>>
    %dma_start3A_86 = arith.constant 0 : i32
    %dma_start3A_87 = arith.constant 0 : i32
    %dma_start3A_88 = tpu.memref_slice %arg2[%dma_start3A_86, %dma_start3A_87] : memref<100000x128xf32, #tpu.memory_space<hbm>> -> memref<100000x128xf32, #tpu.memory_space<hbm>>
    tpu.enqueue_indirect_dma source(%dma_start3A_88 : memref<100000x128xf32, #tpu.memory_space<hbm>>) target(%dma_start3A_82 : memref<128x128xf32, #tpu.memory_space<vmem>>) offsets(%dma_start3A_85 : memref<128xi32, #tpu.memory_space<vmem>>) semaphore(%arg7 : memref<!tpu.dma_semaphore, #tpu.memory_space<semaphore_mem>>)
    %dma_start3A_89 = arith.constant 1 : i32
    %dma_start3A_90 = arith.constant 128 : i32
    %dma_start3A_91 = arith.constant 0 : i32
    %dma_start3A_92 = tpu.memref_slice %arg6[%dma_start3A_90, %dma_start3A_91] : memref<256x128xf32, #tpu.memory_space<vmem>> -> memref<128x128xf32, #tpu.memory_space<vmem>>
    %dma_start3A_93 = arith.constant 0 : i32
    %dma_start3A_94 = tpu.memref_slice %arg5[%dma_start3A_89, %dma_start3A_93] : memref<2x128xi32, #tpu.memory_space<vmem>> -> memref<1x128xi32, #tpu.memory_space<vmem>>
    %dma_start3A_95 = tpu.memref_squeeze %dma_start3A_94 : memref<1x128xi32, #tpu.memory_space<vmem>> -> memref<128xi32, #tpu.memory_space<vmem>>
    %dma_start3A_96 = arith.constant 0 : i32
    %dma_start3A_97 = arith.constant 0 : i32
    %dma_start3A_98 = tpu.memref_slice %arg2[%dma_start3A_96, %dma_start3A_97] : memref<100000x128xf32, #tpu.memory_space<hbm>> -> memref<100000x128xf32, #tpu.memory_space<hbm>>
    tpu.enqueue_indirect_dma source(%dma_start3A_98 : memref<100000x128xf32, #tpu.memory_space<hbm>>) target(%dma_start3A_92 : memref<128x128xf32, #tpu.memory_space<vmem>>) offsets(%dma_start3A_95 : memref<128xi32, #tpu.memory_space<vmem>>) semaphore(%arg7 : memref<!tpu.dma_semaphore, #tpu.memory_space<semaphore_mem>>)
    %dma_wait3A_99 = arith.constant 0 : i32
    %dma_wait3A_100 = arith.constant 0 : i32
    %dma_wait3A_101 = arith.constant 0 : i32
    %dma_wait3A_102 = tpu.memref_slice %arg6[%dma_wait3A_100, %dma_wait3A_101] : memref<256x128xf32, #tpu.memory_space<vmem>> -> memref<128x128xf32, #tpu.memory_space<vmem>>
    %dma_wait3A_103 = arith.constant 0 : i32
    %dma_wait3A_104 = tpu.memref_slice %arg5[%dma_wait3A_99, %dma_wait3A_103] : memref<2x128xi32, #tpu.memory_space<vmem>> -> memref<1x128xi32, #tpu.memory_space<vmem>>
    %dma_wait3A_105 = tpu.memref_squeeze %dma_wait3A_104 : memref<1x128xi32, #tpu.memory_space<vmem>> -> memref<128xi32, #tpu.memory_space<vmem>>
    %dma_wait3A_106 = arith.constant 0 : i32
    %dma_wait3A_107 = arith.constant 0 : i32
    %dma_wait3A_108 = tpu.memref_slice %arg2[%dma_wait3A_106, %dma_wait3A_107] : memref<100000x128xf32, #tpu.memory_space<hbm>> -> memref<100000x128xf32, #tpu.memory_space<hbm>>
    tpu.wait_indirect_dma semaphore(%arg7 : memref<!tpu.dma_semaphore, #tpu.memory_space<semaphore_mem>>) src(%dma_wait3A_108 : memref<100000x128xf32, #tpu.memory_space<hbm>>) dst(%dma_wait3A_102 : memref<128x128xf32, #tpu.memory_space<vmem>>)
    %dma_wait3A_109 = arith.constant 1 : i32
    %dma_wait3A_110 = arith.constant 128 : i32
    %dma_wait3A_111 = arith.constant 0 : i32
    %dma_wait3A_112 = tpu.memref_slice %arg6[%dma_wait3A_110, %dma_wait3A_111] : memref<256x128xf32, #tpu.memory_space<vmem>> -> memref<128x128xf32, #tpu.memory_space<vmem>>
    %dma_wait3A_113 = arith.constant 0 : i32
    %dma_wait3A_114 = tpu.memref_slice %arg5[%dma_wait3A_109, %dma_wait3A_113] : memref<2x128xi32, #tpu.memory_space<vmem>> -> memref<1x128xi32, #tpu.memory_space<vmem>>
    %dma_wait3A_115 = tpu.memref_squeeze %dma_wait3A_114 : memref<1x128xi32, #tpu.memory_space<vmem>> -> memref<128xi32, #tpu.memory_space<vmem>>
    %dma_wait3A_116 = arith.constant 0 : i32
    %dma_wait3A_117 = arith.constant 0 : i32
    %dma_wait3A_118 = tpu.memref_slice %arg2[%dma_wait3A_116, %dma_wait3A_117] : memref<100000x128xf32, #tpu.memory_space<hbm>> -> memref<100000x128xf32, #tpu.memory_space<hbm>>
    tpu.wait_indirect_dma semaphore(%arg7 : memref<!tpu.dma_semaphore, #tpu.memory_space<semaphore_mem>>) src(%dma_wait3A_118 : memref<100000x128xf32, #tpu.memory_space<hbm>>) dst(%dma_wait3A_112 : memref<128x128xf32, #tpu.memory_space<vmem>>)
    "tpu.region"() ({
      %run_scoped3A = tpu.sem_alloc : memref<!tpu.dma_semaphore, #tpu.memory_space<semaphore_mem>>
      %dma_start3A_119 = arith.constant 0 : i32
      %dma_start3A_120 = tpu.memref_slice %arg4[%select_n3A, %mul3A_32, %dma_start3A_119] : memref<4x2048x128xf32, #tpu.memory_space<hbm>> -> memref<1x256x128xf32, #tpu.memory_space<hbm>>
      %dma_start3A_121 = tpu.memref_squeeze %dma_start3A_120 : memref<1x256x128xf32, #tpu.memory_space<hbm>> -> memref<256x128xf32, #tpu.memory_space<hbm>>
      %dma_start3A_122 = arith.constant 0 : i32
      %dma_start3A_123 = tpu.memref_slice %arg4[%select_n3A, %mul3A_32, %dma_start3A_122] : memref<4x2048x128xf32, #tpu.memory_space<hbm>> -> memref<1x256x128xf32, #tpu.memory_space<hbm>>
      %dma_start3A_124 = tpu.memref_squeeze %dma_start3A_123 : memref<1x256x128xf32, #tpu.memory_space<hbm>> -> memref<256x128xf32, #tpu.memory_space<hbm>>
      tpu.enqueue_dma source(%arg6 : memref<256x128xf32, #tpu.memory_space<vmem>>) target(%dma_start3A_124 : memref<256x128xf32, #tpu.memory_space<hbm>>) target_semaphore(%run_scoped3A : memref<!tpu.dma_semaphore, #tpu.memory_space<semaphore_mem>>)
      %dma_wait3A_125 = arith.constant 0 : i32
      %dma_wait3A_126 = tpu.memref_slice %arg4[%select_n3A, %mul3A_32, %dma_wait3A_125] : memref<4x2048x128xf32, #tpu.memory_space<hbm>> -> memref<1x256x128xf32, #tpu.memory_space<hbm>>
      %dma_wait3A_127 = tpu.memref_squeeze %dma_wait3A_126 : memref<1x256x128xf32, #tpu.memory_space<hbm>> -> memref<256x128xf32, #tpu.memory_space<hbm>>
      %dma_wait3A_128 = arith.constant 0 : i32
      %dma_wait3A_129 = tpu.memref_slice %arg4[%select_n3A, %mul3A_32, %dma_wait3A_128] : memref<4x2048x128xf32, #tpu.memory_space<hbm>> -> memref<1x256x128xf32, #tpu.memory_space<hbm>>
      %dma_wait3A_130 = tpu.memref_squeeze %dma_wait3A_129 : memref<1x256x128xf32, #tpu.memory_space<hbm>> -> memref<256x128xf32, #tpu.memory_space<hbm>>
      tpu.wait_dma2 semaphore(%run_scoped3A : memref<!tpu.dma_semaphore, #tpu.memory_space<semaphore_mem>>) src(%arg6 : memref<256x128xf32, #tpu.memory_space<vmem>>) dst(%dma_wait3A_130 : memref<256x128xf32, #tpu.memory_space<hbm>>)
      tpu.yield
    }) : () -> ()
    return
  }
}

module attributes {stable_mosaic.version = 14 : i64} {
  func.func @_tc_norm_body(%arg0: i32, %arg1: i32, %arg2: memref<1x1024x128xf32, #tpu.memory_space<vmem>>, %arg3: memref<4x2048xi32, #tpu.memory_space<vmem>>, %arg4: memref<2048x128xf32, #tpu.memory_space<vmem>>, %arg5: memref<2x128xf32, #tpu.memory_space<vmem>>, %arg6: memref<1x128xf32, #tpu.memory_space<vmem>>, %arg7: memref<1x128xf32, #tpu.memory_space<vmem>>, %arg8: memref<1x1024x128xf32, #tpu.memory_space<vmem>>, %arg9: memref<1024x128xf32, #tpu.memory_space<vmem>>, %arg10: memref<1024x128xf32, #tpu.memory_space<vmem>>, %arg11: memref<2x128xf32, #tpu.memory_space<vmem>>, %arg12: memref<1x128xf32, #tpu.memory_space<vmem>>) attributes {dimension_semantics = [#tpu.dimension_semantics<arbitrary>, #tpu.dimension_semantics<arbitrary>], iteration_bounds = array<i64: 4, 3>, scalar_prefetch = 0 : i64, scratch_operands = 4 : i64, tpu.core_type = #tpu.core_type<tc>, window_params = [{transform_indices = @transform_0, window_bounds = array<i64: 1, 1024, 128>}, {pipeline_mode = #tpu.pipeline_mode<synchronous>, transform_indices = @transform_1, window_bounds = array<i64: 4, 2048>}, {pipeline_mode = #tpu.pipeline_mode<synchronous>, transform_indices = @transform_2, window_bounds = array<i64: 2048, 128>}, {pipeline_mode = #tpu.pipeline_mode<synchronous>, transform_indices = @transform_3, window_bounds = array<i64: 2, 128>}, {pipeline_mode = #tpu.pipeline_mode<synchronous>, transform_indices = @transform_4, window_bounds = array<i64: 1, 128>}, {pipeline_mode = #tpu.pipeline_mode<synchronous>, transform_indices = @transform_5, window_bounds = array<i64: 1, 128>}, {transform_indices = @transform_6, window_bounds = array<i64: 1, 1024, 128>}]} {
    %get3A = arith.constant 0 : index
    %get3A_0 = arith.constant 0 : index
    %get3A_1 = vector.load %arg5[%get3A, %get3A_0] : memref<2x128xf32, #tpu.memory_space<vmem>>, vector<1x128xf32>
    %get3A_2 = arith.constant 1 : index
    %get3A_3 = arith.constant 0 : index
    %get3A_4 = vector.load %arg5[%get3A_2, %get3A_3] : memref<2x128xf32, #tpu.memory_space<vmem>>, vector<1x128xf32>
    %get3A_5 = arith.constant 0 : index
    %get3A_6 = arith.constant 0 : index
    %get3A_7 = vector.load %arg7[%get3A_5, %get3A_6] : memref<1x128xf32, #tpu.memory_space<vmem>>, vector<1x128xf32>
    %eq3A = arith.constant 0 : i32
    %eq3A_8 = arith.cmpi eq, %arg1, %eq3A : i32
    %convert_element_type3A = arith.extui %eq3A_8 : i1 to i32
    %cond3A = arith.constant 0 : i32
    %cond3A_9 = arith.cmpi ne, %convert_element_type3A, %cond3A : i32
    scf.if %cond3A_9 {
      %get3A_20 = arith.constant 0 : index
      %get3A_21 = arith.constant 0 : index
      %get3A_22 = arith.constant 0 : index
      %get3A_23 = vector.load %arg2[%get3A_20, %get3A_21, %get3A_22] : memref<1x1024x128xf32, #tpu.memory_space<vmem>>, vector<1x1024x128xf32>
      %get3A_24 = vector.shape_cast %get3A_23 : vector<1x1024x128xf32> to vector<1024x128xf32>
      %get3A_25 = arith.index_cast %arg0 : i32 to index
      %get3A_26 = arith.constant 0 : index
      %get3A_27 = vector.load %arg3[%get3A_25, %get3A_26] : memref<4x2048xi32, #tpu.memory_space<vmem>>, vector<1x1024xi32>
      %get3A_28 = vector.shape_cast %get3A_27 : vector<1x1024xi32> to vector<1024xi32>
      %convert_element_type3A_29 = arith.sitofp %get3A_28 : vector<1024xi32> to vector<1024xf32>
      %get3A_30 = arith.constant 0 : index
      %get3A_31 = arith.constant 0 : index
      %get3A_32 = vector.load %arg4[%get3A_30, %get3A_31] : memref<2048x128xf32, #tpu.memory_space<vmem>>, vector<1024x128xf32>
      %add3A = arith.addf %get3A_24, %get3A_32 : vector<1024x128xf32>
      %add3A_33 = vector.broadcast %get3A_1 : vector<1x128xf32> to vector<1024x128xf32>
      %add3A_34 = arith.addf %add3A, %add3A_33 : vector<1024x128xf32>
      %broadcast_in_dim3A = vector.shape_cast %convert_element_type3A_29 : vector<1024xf32> to vector<1024x1xf32>
      %sub3A = arith.subf %get3A_4, %get3A_1 : vector<1x128xf32>
      %mul3A = vector.broadcast %broadcast_in_dim3A : vector<1024x1xf32> to vector<1024x128xf32>
      %mul3A_35 = vector.broadcast %sub3A : vector<1x128xf32> to vector<1024x128xf32>
      %mul3A_36 = arith.mulf %mul3A, %mul3A_35 : vector<1024x128xf32>
      %add3A_37 = arith.addf %add3A_34, %mul3A_36 : vector<1024x128xf32>
      %reduce_sum3A = arith.constant dense<0.000000e+00> : vector<1024xf32>
      %reduce_sum3A_38 = vector.multi_reduction <add>, %add3A_37, %reduce_sum3A [1] : vector<1024x128xf32> to vector<1024xf32>
      %broadcast_in_dim3A_39 = vector.shape_cast %reduce_sum3A_38 : vector<1024xf32> to vector<1024x1xf32>
      %div3A = arith.constant 1.280000e+02 : f32
      %div3A_40 = vector.broadcast %div3A : f32 to vector<1024x1xf32>
      %div3A_41 = arith.divf %broadcast_in_dim3A_39, %div3A_40 : vector<1024x1xf32>
      %sub3A_42 = vector.broadcast %div3A_41 : vector<1024x1xf32> to vector<1024x128xf32>
      %sub3A_43 = arith.subf %add3A_37, %sub3A_42 : vector<1024x128xf32>
      %swap3A = arith.constant 0 : index
      %swap3A_44 = arith.constant 0 : index
      %swap3A_45 = vector.load %arg9[%swap3A, %swap3A_44] : memref<1024x128xf32, #tpu.memory_space<vmem>>, vector<1024x128xf32>
      tpu.vector_store %arg9[%swap3A, %swap3A_44], %sub3A_43 {strides = array<i32>} : memref<1024x128xf32, #tpu.memory_space<vmem>>, vector<1024x128xf32>,
      %reduce_min3A = arith.constant dense<0x7F800000> : vector<128xf32>
      %reduce_min3A_46 = vector.multi_reduction <minimumf>, %sub3A_43, %reduce_min3A [0] : vector<1024x128xf32> to vector<128xf32>
      %broadcast_in_dim3A_47 = vector.shape_cast %reduce_min3A_46 : vector<128xf32> to vector<1x128xf32>
      %reduce_max3A = arith.constant dense<0xFF800000> : vector<128xf32>
      %reduce_max3A_48 = vector.multi_reduction <maximumf>, %sub3A_43, %reduce_max3A [0] : vector<1024x128xf32> to vector<128xf32>
      %broadcast_in_dim3A_49 = vector.shape_cast %reduce_max3A_48 : vector<128xf32> to vector<1x128xf32>
      %swap3A_50 = arith.constant 0 : index
      %swap3A_51 = arith.constant 0 : index
      %swap3A_52 = vector.load %arg11[%swap3A_50, %swap3A_51] : memref<2x128xf32, #tpu.memory_space<vmem>>, vector<1x128xf32>
      tpu.vector_store %arg11[%swap3A_50, %swap3A_51], %broadcast_in_dim3A_47 {strides = array<i32>} : memref<2x128xf32, #tpu.memory_space<vmem>>, vector<1x128xf32>,
      %swap3A_53 = arith.constant 1 : index
      %swap3A_54 = arith.constant 0 : index
      %swap3A_55 = vector.load %arg11[%swap3A_53, %swap3A_54] : memref<2x128xf32, #tpu.memory_space<vmem>>, vector<1x128xf32>
      tpu.vector_store %arg11[%swap3A_53, %swap3A_54], %broadcast_in_dim3A_49 {strides = array<i32>} : memref<2x128xf32, #tpu.memory_space<vmem>>, vector<1x128xf32>,
    } else {
    }
    %eq3A_10 = arith.constant 1 : i32
    %eq3A_11 = arith.cmpi eq, %arg1, %eq3A_10 : i32
    %convert_element_type3A_12 = arith.extui %eq3A_11 : i1 to i32
    %cond3A_13 = arith.constant 0 : i32
    %cond3A_14 = arith.cmpi ne, %convert_element_type3A_12, %cond3A_13 : i32
    scf.if %cond3A_14 {
      %get3A_20 = arith.constant 0 : index
      %get3A_21 = arith.constant 0 : index
      %get3A_22 = arith.constant 0 : index
      %get3A_23 = vector.load %arg2[%get3A_20, %get3A_21, %get3A_22] : memref<1x1024x128xf32, #tpu.memory_space<vmem>>, vector<1x1024x128xf32>
      %get3A_24 = vector.shape_cast %get3A_23 : vector<1x1024x128xf32> to vector<1024x128xf32>
      %get3A_25 = arith.index_cast %arg0 : i32 to index
      %get3A_26 = arith.constant 1024 : index
      %get3A_27 = vector.load %arg3[%get3A_25, %get3A_26] : memref<4x2048xi32, #tpu.memory_space<vmem>>, vector<1x1024xi32>
      %get3A_28 = vector.shape_cast %get3A_27 : vector<1x1024xi32> to vector<1024xi32>
      %convert_element_type3A_29 = arith.sitofp %get3A_28 : vector<1024xi32> to vector<1024xf32>
      %get3A_30 = arith.constant 1024 : index
      %get3A_31 = arith.constant 0 : index
      %get3A_32 = vector.load %arg4[%get3A_30, %get3A_31] : memref<2048x128xf32, #tpu.memory_space<vmem>>, vector<1024x128xf32>
      %add3A = arith.addf %get3A_24, %get3A_32 : vector<1024x128xf32>
      %add3A_33 = vector.broadcast %get3A_1 : vector<1x128xf32> to vector<1024x128xf32>
      %add3A_34 = arith.addf %add3A, %add3A_33 : vector<1024x128xf32>
      %broadcast_in_dim3A = vector.shape_cast %convert_element_type3A_29 : vector<1024xf32> to vector<1024x1xf32>
      %sub3A = arith.subf %get3A_4, %get3A_1 : vector<1x128xf32>
      %mul3A = vector.broadcast %broadcast_in_dim3A : vector<1024x1xf32> to vector<1024x128xf32>
      %mul3A_35 = vector.broadcast %sub3A : vector<1x128xf32> to vector<1024x128xf32>
      %mul3A_36 = arith.mulf %mul3A, %mul3A_35 : vector<1024x128xf32>
      %add3A_37 = arith.addf %add3A_34, %mul3A_36 : vector<1024x128xf32>
      %reduce_sum3A = arith.constant dense<0.000000e+00> : vector<1024xf32>
      %reduce_sum3A_38 = vector.multi_reduction <add>, %add3A_37, %reduce_sum3A [1] : vector<1024x128xf32> to vector<1024xf32>
      %broadcast_in_dim3A_39 = vector.shape_cast %reduce_sum3A_38 : vector<1024xf32> to vector<1024x1xf32>
      %div3A = arith.constant 1.280000e+02 : f32
      %div3A_40 = vector.broadcast %div3A : f32 to vector<1024x1xf32>
      %div3A_41 = arith.divf %broadcast_in_dim3A_39, %div3A_40 : vector<1024x1xf32>
      %sub3A_42 = vector.broadcast %div3A_41 : vector<1024x1xf32> to vector<1024x128xf32>
      %sub3A_43 = arith.subf %add3A_37, %sub3A_42 : vector<1024x128xf32>
      %swap3A = arith.constant 0 : index
      %swap3A_44 = arith.constant 0 : index
      %swap3A_45 = vector.load %arg10[%swap3A, %swap3A_44] : memref<1024x128xf32, #tpu.memory_space<vmem>>, vector<1024x128xf32>
      tpu.vector_store %arg10[%swap3A, %swap3A_44], %sub3A_43 {strides = array<i32>} : memref<1024x128xf32, #tpu.memory_space<vmem>>, vector<1024x128xf32>,
      %reduce_min3A = arith.constant dense<0x7F800000> : vector<128xf32>
      %reduce_min3A_46 = vector.multi_reduction <minimumf>, %sub3A_43, %reduce_min3A [0] : vector<1024x128xf32> to vector<128xf32>
      %broadcast_in_dim3A_47 = vector.shape_cast %reduce_min3A_46 : vector<128xf32> to vector<1x128xf32>
      %reduce_max3A = arith.constant dense<0xFF800000> : vector<128xf32>
      %reduce_max3A_48 = vector.multi_reduction <maximumf>, %sub3A_43, %reduce_max3A [0] : vector<1024x128xf32> to vector<128xf32>
      %broadcast_in_dim3A_49 = vector.shape_cast %reduce_max3A_48 : vector<128xf32> to vector<1x128xf32>
      %get3A_50 = arith.constant 0 : index
      %get3A_51 = arith.constant 0 : index
      %get3A_52 = vector.load %arg11[%get3A_50, %get3A_51] : memref<2x128xf32, #tpu.memory_space<vmem>>, vector<1x128xf32>
      %min3A = arith.minimumf %broadcast_in_dim3A_47, %get3A_52 : vector<1x128xf32>
      %get3A_53 = arith.constant 1 : index
      %get3A_54 = arith.constant 0 : index
      %get3A_55 = vector.load %arg11[%get3A_53, %get3A_54] : memref<2x128xf32, #tpu.memory_space<vmem>>, vector<1x128xf32>
      %max3A = arith.maximumf %broadcast_in_dim3A_49, %get3A_55 : vector<1x128xf32>
      %get3A_56 = arith.constant 0 : index
      %get3A_57 = arith.constant 0 : index
      %get3A_58 = vector.load %arg6[%get3A_56, %get3A_57] : memref<1x128xf32, #tpu.memory_space<vmem>>, vector<1x128xf32>
      %sub3A_59 = arith.subf %max3A, %min3A : vector<1x128xf32>
      %mul3A_60 = arith.constant 0.32101348 : f32
      %mul3A_61 = vector.broadcast %mul3A_60 : f32 to vector<1x128xf32>
      %mul3A_62 = arith.mulf %sub3A_59, %mul3A_61 : vector<1x128xf32>
      %div3A_63 = arith.divf %get3A_58, %mul3A_62 : vector<1x128xf32>
      %swap3A_64 = arith.constant 0 : index
      %swap3A_65 = arith.constant 0 : index
      %swap3A_66 = vector.load %arg12[%swap3A_64, %swap3A_65] : memref<1x128xf32, #tpu.memory_space<vmem>>, vector<1x128xf32>
      tpu.vector_store %arg12[%swap3A_64, %swap3A_65], %div3A_63 {strides = array<i32>} : memref<1x128xf32, #tpu.memory_space<vmem>>, vector<1x128xf32>,
      %get3A_67 = arith.constant 0 : index
      %get3A_68 = arith.constant 0 : index
      %get3A_69 = vector.load %arg9[%get3A_67, %get3A_68] : memref<1024x128xf32, #tpu.memory_space<vmem>>, vector<1024x128xf32>
      %mul3A_70 = vector.broadcast %div3A_63 : vector<1x128xf32> to vector<1024x128xf32>
      %mul3A_71 = arith.mulf %get3A_69, %mul3A_70 : vector<1024x128xf32>
      %add3A_72 = vector.broadcast %get3A_7 : vector<1x128xf32> to vector<1024x128xf32>
      %add3A_73 = arith.addf %mul3A_71, %add3A_72 : vector<1024x128xf32>
      %swap3A_74 = arith.constant 0 : index
      %swap3A_75 = arith.constant 0 : index
      %swap3A_76 = arith.constant 0 : index
      %swap3A_77 = vector.load %arg8[%swap3A_74, %swap3A_75, %swap3A_76] : memref<1x1024x128xf32, #tpu.memory_space<vmem>>, vector<1x1024x128xf32>
      %swap3A_78 = vector.shape_cast %swap3A_77 : vector<1x1024x128xf32> to vector<1024x128xf32>
      %swap3A_79 = vector.shape_cast %add3A_73 : vector<1024x128xf32> to vector<1x1024x128xf32>
      tpu.vector_store %arg8[%swap3A_74, %swap3A_75, %swap3A_76], %swap3A_79 {strides = array<i32>} : memref<1x1024x128xf32, #tpu.memory_space<vmem>>, vector<1x1024x128xf32>,
    } else {
    }
    %eq3A_15 = arith.constant 2 : i32
    %eq3A_16 = arith.cmpi eq, %arg1, %eq3A_15 : i32
    %convert_element_type3A_17 = arith.extui %eq3A_16 : i1 to i32
    %cond3A_18 = arith.constant 0 : i32
    %cond3A_19 = arith.cmpi ne, %convert_element_type3A_17, %cond3A_18 : i32
    scf.if %cond3A_19 {
      %get3A_20 = arith.constant 0 : index
      %get3A_21 = arith.constant 0 : index
      %get3A_22 = vector.load %arg10[%get3A_20, %get3A_21] : memref<1024x128xf32, #tpu.memory_space<vmem>>, vector<1024x128xf32>
      %get3A_23 = arith.constant 0 : index
      %get3A_24 = arith.constant 0 : index
      %get3A_25 = vector.load %arg12[%get3A_23, %get3A_24] : memref<1x128xf32, #tpu.memory_space<vmem>>, vector<1x128xf32>
      %mul3A = vector.broadcast %get3A_25 : vector<1x128xf32> to vector<1024x128xf32>
      %mul3A_26 = arith.mulf %get3A_22, %mul3A : vector<1024x128xf32>
      %add3A = vector.broadcast %get3A_7 : vector<1x128xf32> to vector<1024x128xf32>
      %add3A_27 = arith.addf %mul3A_26, %add3A : vector<1024x128xf32>
      %swap3A = arith.constant 0 : index
      %swap3A_28 = arith.constant 0 : index
      %swap3A_29 = arith.constant 0 : index
      %swap3A_30 = vector.load %arg8[%swap3A, %swap3A_28, %swap3A_29] : memref<1x1024x128xf32, #tpu.memory_space<vmem>>, vector<1x1024x128xf32>
      %swap3A_31 = vector.shape_cast %swap3A_30 : vector<1x1024x128xf32> to vector<1024x128xf32>
      %swap3A_32 = vector.shape_cast %add3A_27 : vector<1024x128xf32> to vector<1x1024x128xf32>
      tpu.vector_store %arg8[%swap3A, %swap3A_28, %swap3A_29], %swap3A_32 {strides = array<i32>} : memref<1x1024x128xf32, #tpu.memory_space<vmem>>, vector<1x1024x128xf32>,
    } else {
    }
    return
  }
  func.func @transform_0(%arg0: i32, %arg1: i32) -> (i32, i32, i32) {
    %min3A = arith.constant 1 : i32
    %min3A_0 = arith.minsi %arg1, %min3A : i32
    %c0_i32 = arith.constant 0 : i32
    %c0_i32_1 = arith.constant 0 : i32
    return %arg0, %min3A_0, %c0_i32 : i32, i32, i32
  }
  func.func @transform_1(%arg0: i32, %arg1: i32) -> (i32, i32) {
    %c0_i32 = arith.constant 0 : i32
    %c0_i32_0 = arith.constant 0 : i32
    %c0_i32_1 = arith.constant 0 : i32
    return %c0_i32, %c0_i32_0 : i32, i32
  }
  func.func @transform_2(%arg0: i32, %arg1: i32) -> (i32, i32) {
    %c0_i32 = arith.constant 0 : i32
    %c0_i32_0 = arith.constant 0 : i32
    %c0_i32_1 = arith.constant 0 : i32
    return %c0_i32, %c0_i32_0 : i32, i32
  }
  func.func @transform_3(%arg0: i32, %arg1: i32) -> (i32, i32) {
    %c0_i32 = arith.constant 0 : i32
    %c0_i32_0 = arith.constant 0 : i32
    %c0_i32_1 = arith.constant 0 : i32
    return %c0_i32, %c0_i32_0 : i32, i32
  }
  func.func @transform_4(%arg0: i32, %arg1: i32) -> (i32, i32) {
    %c0_i32 = arith.constant 0 : i32
    %c0_i32_0 = arith.constant 0 : i32
    %c0_i32_1 = arith.constant 0 : i32
    return %c0_i32, %c0_i32_0 : i32, i32
  }
  func.func @transform_5(%arg0: i32, %arg1: i32) -> (i32, i32) {
    %c0_i32 = arith.constant 0 : i32
    %c0_i32_0 = arith.constant 0 : i32
    %c0_i32_1 = arith.constant 0 : i32
    return %c0_i32, %c0_i32_0 : i32, i32
  }
  func.func @transform_6(%arg0: i32, %arg1: i32) -> (i32, i32, i32) {
    %sub3A = arith.constant 1 : i32
    %sub3A_0 = arith.subi %arg1, %sub3A : i32
    %max3A = arith.constant 0 : i32
    %max3A_1 = arith.maxsi %sub3A_0, %max3A : i32
    %c0_i32 = arith.constant 0 : i32
    %c0_i32_2 = arith.constant 0 : i32
    return %arg0, %max3A_1, %c0_i32 : i32, i32, i32
  }
}

</mosaic_0001>

<sc_bundles>
// kernel: kernel.4.cloned.1.call-start
scs
__scs_entry_jumppad:
0x0: {  	(pc) =	sbr.rel $0x88, $3  }
0x1: {  	(tag) =	ssettag $0x0;
	lr =	simm.s32 $0x1  }
0x2: {  	[smem:$0x3F9A] =	sst lr;
	_ =	strace $0xD0000000  }
0x3: {  	_ = 	snop  }
0x4: {  	_ = 	snop  }
0x5: {  	_ = 	snop  }
0x6: {  	_ = 	snop  }
0x7: {  	_ = 	snop  }
__scs_overlays_trampoline_lowered:
0x8: {  	[smem:$0x3FA9] =	sst s0  }
0x9: {  	[smem:$0x3FAA] =	sst s1  }
0xa: {  	[smem:$0x3FAB] =	sst s2  }
0xb: {  	[smem:$0x3FAC] =	sst s3  }
0xc: {  	[smem:$0x3FAD] =	sst s4  }
0xd: {  	[smem:$0x3FAE] =	sst s5  }
0xe: {  	[smem:$0x3FAF] =	sst s6  }
0xf: {  	[smem:$0x3FB0] =	sst s7  }
0x10: {  	[smem:$0x3FB1] =	sst s8  }
0x11: {  	[smem:$0x3FB2] =	sst s9;
	s0 =	simm.s32 @!p0 $0x0  }
0x12: {  	s1 =	sld [smem:$0x3F98];
	s0 =	simm.s32 @p0 $0x1  }
0x13: {  	[smem:$0x3FB3] =	sst s0;
	s0 =	simm.s32 @!p1 $0x0  }
0x14: {  	s2 =	sld [smem:$0x3F97];
	s0 =	simm.s32 @p1 $0x1  }
0x15: {  	[smem:$0x3FB4] =	sst s0;
	s0 =	simm.s32 @!p2 $0x0  }
0x16: {  	s3 =	sld [smem:$0x3FDB];
	s0 =	simm.s32 @p2 $0x1  }
0x17: {  	s4 =	simm.s32 $0x1BF5;
	[smem:$0x3FB6] =	sst s0  }
0x18: {  	s0 =	sld [smem:$0x3F99];
	_ =	swait.ge [sflag:s4], $0x0  }
0x19: {  	s7 =	sld [smem:$0x3F9A]  }
0x1a: {  	s8 =	sadd.s32 $0xFFFFE003, lr  }
0x1b: {  	s9 =	sadd.s32 $0xFFFFFEF7, lr;
	s5 =	simm.s32 $0xFFFFFFFF;
	p2 =	slt.u32 s8, $0xFFFFF086  }
0x1c: {  	p1 =	slt.u32 s9, $0xF7A;
	s5 =	simm.s32 @!p2 $0x0  }
0x1d: {  	s5 =	simm.s32 @p1 $0x1;
	p0 =	seq.s32 s7, s2  }
0x1e: {  	s7 =	smul.u32 @!p0 $0xF7A, s2;
	p2 =	seq.s32 @!p0 s5, $0x0  }
0x1f: {  	s9 =	smul.u32 $0xF7A, s1;
	s8 =	simm.s32 @!p0 $0x1BF5;
	p2 =	por !p2, p0  }
0x20: {  	[sflag:s8] =	ssyncset.s32 @!p0 $0xFFFFF086;
	s6 =	sadd.s32 @!p0 s3, s7;
	s7 =	simm.s32 @!p0 $0x108  }
0x21: {  	s3 =	sadd.s32 s3, s9;
	s6 =	sadd.s32 @!p0 $0x88, s6;
	s7 =	simm.s32 @p2 $0x1082  }
0x22: {  	[simem:s7], [sflag:s8] =	dma.local @!p0 [hbm:s6], $0xF7A  }
0x23: {  	s9 =	sor.u32 $0xD0000000, s2;
	s6 =	simm.s32 $0x108;
	_ =	swait.ge @!p0 [sflag:s8], $0x0  }
0x24: {  	s3 =	sadd.s32 $0x88, s3;
	s6 =	simm.s32 @!p1 $0x1082;
	[sflag:s4] =	ssyncset.s32 $0xFFFFF086  }
0x25: {  	[simem:s6], [sflag:s4] =	dma.local [hbm:s3], $0xF7A  }
0x26: {  	[smem:$0x3F9A] =	sst s1;
	(tag) =	ssettag s2;
	_ =	strace s9  }
0x27: {  	s1 =	sld [smem:$0x3FAA]  }
0x28: {  	s2 =	sld [smem:$0x3FAB]  }
0x29: {  	s4 =	sld [smem:$0x3FAD]  }
0x2a: {  	p0 =	seq.s32 s5, $0x0;
	s5 =	sld [smem:$0x3FAE]  }
0x2b: {  	s6 =	sld [smem:$0x3FAF]  }
0x2c: {  	s7 =	sld [smem:$0x3FB0]  }
0x2d: {  	s3 =	simm.s32 $0x108;
	s8 =	sld [smem:$0x3FB1]  }
0x2e: {  	s3 =	simm.s32 @!p0 $0x1082;
	s9 =	sld [smem:$0x3FB2]  }
0x2f: {  	lr =	sadd.s32 s0, s3;
	s0 =	sld [smem:$0x3FA9]  }
0x30: {  	s3 =	sld [smem:$0x3FAC]  }
0x31: {  	[smem:$0x3FB5] =	sst s10  }
0x32: {  	s10 =	sld [smem:$0x3FB3];
	_ =	sdelay $0x3  }
0x33: {  	p0 =	seq.s32 s10, $0x1;
	s10 =	sld [smem:$0x3FB5];
	_ =	sdelay $0x3  }
0x34: {  	[smem:$0x3FB5] =	sst s10  }
0x35: {  	s10 =	sld [smem:$0x3FB4];
	_ =	sdelay $0x3  }
0x36: {  	p1 =	seq.s32 s10, $0x1;
	s10 =	sld [smem:$0x3FB5];
	_ =	sdelay $0x3  }
0x37: {  	[smem:$0x3FB5] =	sst s10  }
0x38: {  	s10 =	sld [smem:$0x3FB6]  }
0x39: {  	_ = 	snop;
	(pc) =	sbr.ind lr, $3  }
0x3a: {  	_ = 	snop  }
0x3b: {  	_ = 	snop  }
0x3c: {  	p2 =	seq.s32 s10, $0x1;
	s10 =	sld [smem:$0x3FB5]  }
0x3d: {  	_ =	shalt  }
0x3e: {  	_ =	shalt  }
0x3f: {  	_ =	shalt  }
0x40: {  	_ =	shalt  }
0x41: {  	_ =	shalt  }
0x42: {  	_ =	shalt  }
0x43: {  	_ =	shalt  }
0x44: {  	_ =	shalt  }
0x45: {  	_ =	shalt  }
0x46: {  	_ =	shalt  }
0x47: {  	_ =	shalt  }
0x48: {  	_ =	shalt  }
0x49: {  	_ =	shalt  }
0x4a: {  	_ =	shalt  }
0x4b: {  	_ =	shalt  }
0x4c: {  	_ =	shalt  }
0x4d: {  	_ =	shalt  }
0x4e: {  	_ =	shalt  }
0x4f: {  	_ =	shalt  }
0x50: {  	_ =	shalt  }
0x51: {  	_ =	shalt  }
0x52: {  	_ =	shalt  }
0x53: {  	_ =	shalt  }
0x54: {  	_ =	shalt  }
0x55: {  	_ =	shalt  }
0x56: {  	_ =	shalt  }
0x57: {  	_ =	shalt  }
0x58: {  	_ =	shalt  }
0x59: {  	_ =	shalt  }
0x5a: {  	_ =	shalt  }
0x5b: {  	_ =	shalt  }
0x5c: {  	_ =	shalt  }
0x5d: {  	_ =	shalt  }
0x5e: {  	_ =	shalt  }
0x5f: {  	_ =	shalt  }
0x60: {  	_ =	shalt  }
0x61: {  	_ =	shalt  }
0x62: {  	_ =	shalt  }
0x63: {  	_ =	shalt  }
0x64: {  	_ =	shalt  }
0x65: {  	_ =	shalt  }
0x66: {  	_ =	shalt  }
0x67: {  	_ =	shalt  }
0x68: {  	_ =	shalt  }
0x69: {  	_ =	shalt  }
0x6a: {  	_ =	shalt  }
0x6b: {  	_ =	shalt  }
0x6c: {  	_ =	shalt  }
0x6d: {  	_ =	shalt  }
0x6e: {  	_ =	shalt  }
0x6f: {  	_ =	shalt  }
0x70: {  	_ =	shalt  }
0x71: {  	_ =	shalt  }
0x72: {  	_ =	shalt  }
0x73: {  	_ =	shalt  }
0x74: {  	_ =	shalt  }
0x75: {  	_ =	shalt  }
0x76: {  	_ =	shalt  }
0x77: {  	_ =	shalt  }
0x78: {  	_ =	shalt  }
0x79: {  	_ =	shalt  }
0x7a: {  	_ =	shalt  }
0x7b: {  	_ =	shalt  }
0x7c: {  	_ =	shalt  }
0x7d: {  	_ =	shalt  }
0x7e: {  	_ =	shalt  }
0x7f: {  	_ =	shalt  }
0x80: {  	_ =	shalt  }
0x81: {  	_ =	shalt  }
0x82: {  	_ =	shalt  }
0x83: {  	_ =	shalt  }
0x84: {  	_ =	shalt  }
0x85: {  	_ =	shalt  }
0x86: {  	_ =	shalt  }
0x87: {  	_ =	shalt  }
.Lfunc_end0:
.L_simem_size_0:
called_computation_lowered:
.L_overlay_start_0:
0x88: {  	s2 =	sld [smem:$0x3FD9]  }
0x89: {  	s3 =	sld [smem:$0x3FFE];
	_ =	sdelay $0x1  }
0x8a: {  	s1 =	srdreg.scid  }
0x8b: {  	s0 =	sand.u32 $0x1, s1  }
0x8c: {  	s18 =	sshll.u32 s0, $0xA;
	s2 =	sadd.s32 s3, s2  }
0x8d: {  	s2 =	sadd.s32 s2, s18  }
0x8e: {  	[smem:$0x3FC1] =	sst s2  }
0x8f: {  	_ = 	snop  }
0x90: {  	s2 =	sld [smem:$0x3FC9]  }
0x91: {  	s19 =	sld [smem:$0x3FC7]  }
0x92: {  	s4 =	sld [smem:$0x3FD0];
	(tm) =	ssettm $0x1  }
0x93: {  	s5 =	sld [smem:$0x3FFB];
	_ =	sdelay $0x3  }
0x94: {  	_ =	strace s5  }
0x95: {  	s5 =	sld [smem:$0x3FFC];
	_ =	sdelay $0x3  }
0x96: {  	_ =	strace s5  }
0x97: {  	s5 =	sld [smem:$0x3FFD];
	_ =	sdelay $0x3  }
0x98: {  	_ =	strace s5  }
0x99: {  	_ =	strace $0x8FFFFFFF  }
0x9a: {  	s20 =	sld [smem:$0x3FDB];
	_ =	sdelay $0x1  }
0x9b: {  	s6 =	simm.s32 $_scs_section_size  }
0x9c: {  	s7 =	simm.s32 $_size__tile_overlayer_lowered;
	s8 =	simm.s32 $_tile_overlayer_lowered  }
0x9d: {  	s23 =	simm.s32 $0x1BFF;
	s22 =	sshll.u32 s8, $0x1;
	s5 =	sadd.s32 s6, s20  }
0x9e: {  	s9 =	simm.s32 $0x0;
	s21 =	sshll.u32 s7, $0x1;
	s7 =	sadd.s32 s22, s5  }
0x9f: {  	[timem:s9], [sflag:s23] =	dma.local [hbm:s7], s21  }
0xa0: {  	_ =	swait.ge [sflag:s23], s21  }
0xa1: {  	s6 =	ssub.s32 $0x0, s21;
	[sflag:s23] =	ssyncset.done $0x0  }
0xa2: {  	[sflag:s23] =	ssyncadd.s32 s6;
	_ =	sdelay $0x1  }
0xa3: {  	s24 =	simm.s32 $0x1B8B  }
0xa4: {  	_ =	swait.ge [sflag:s24], $0x1  }
0xa5: {  	[sflag:s24] =	ssyncset.done $0x0  }
0xa6: {  	s25 =	simm.s32 $0x1B8E;
	[sflag:s24] =	ssyncadd.s32 $0xFFFFFFFF  }
0xa7: {  	s26 =	simm.s32 $execute0_lowered;
	[smem:$0x3FD2] =	sst s25  }
0xa8: {  	s6 =	sshll.u32 s26, $0x1;
	_ =	strace $0x80000046;
	[dreg:$0x1] =	wrdreg $0xFFFFFFFF  }
0xa9: {  	s28 =	simm.s32 $_size_execute0_lowered;
	s5 =	sadd.s32 s5, s6;
	[dreg:$0x0] =	wrdreg $0x0  }
0xaa: {  	s6 =	sshll.u32 s28, $0x1;
	[dreg:$0x2] =	wrdreg s5  }
0xab: {  	[dreg:$0x3] =	wrdreg s6  }
0xac: {  	[dreg:$0x4] =	wrdreg $0xC0  }
0xad: {  	_ =	task [dreg:s9], $0x5FFFF  }
0xae: {  	[dreg:$0x1] =	wrdreg $0xFFFFFFFF  }
0xaf: {  	[dreg:$0x0] =	wrdreg $0x60  }
0xb0: {  	[dreg:$0x2] =	wrdreg s19  }
0xb1: {  	[dreg:$0x3] =	wrdreg s2  }
0xb2: {  	[dreg:$0x4] =	wrdreg s4  }
0xb3: {  	[dreg:$0x5] =	wrdreg $0x9  }
0xb4: {  	_ =	task.clear_ibuf [dreg:s9], $0x6FFFF;
	_ =	strace $0x90000046  }
0xb5: {  	s29 =	simm.s32 $0x9;
	_ =	strace $0x80000048  }
0xb6: {  	_ =	swait.ge [sflag:s29], $0x1  }
0xb7: {  	[sflag:s29] =	ssyncadd.s32 $0xFFFFFFFF  }
0xb8: {  	_ =	strace $0x90000048  }
0xb9: {  	_ =	sfence  }
0xba: {  	s30 =	sld [smem:$0x0];
	_ =	sdelay $0x2  }
0xbb: {  	s31 =	sshll.u32 s1, $0xD;
	s1 =	sshrl.u32 s1, $0x2  }
0xbc: {  	s3 =	sand.u32 $0x4000, s31;
	s1 =	sadd.s32 s1, s30  }
0xbd: {  	s0 =	sor.u32 s3, s0;
	s1 =	sshll.u32 s1, $0x11  }
0xbe: {  	s0 =	sor.u32 s1, s0  }
0xbf: {  	s0 =	sadd.s32 $0x8F2B, s0  }
0xc0: {  	[sflag:s0] =	ssyncadd.remote.s32 $0x1  }
0xc1: {  	_ =	sfence.sel $0xFFFF  }
0xc2: {  	[dreg:$0x0] =	wrdreg $0xFFFFFFFF;
	(pc) =	sbr.abs _section_cstart, $3  }
0xc3: {  	[dreg:$0x1] =	wrdreg $0xFFFFFFFF  }
0xc4: {  	_ =	task.clear_ibuf [dreg:s9], $0x2FFFF;
	_ =	strace $0x9FFFFFFF  }
0xc5: {  	(tm) =	ssettm $0x7FFFFFFF  }
tec
execute0_lowered:
.L_overlay_start_1:
0x0: {  	(tag) =	ssettag $0x1  }
0x1: {  	s0 =	stileid.u32  }
0x2: {  	s1 =	rddreg [dreg:$0x0];
	s2 =	srdreg.scid;
	s3 =	sshll.u32 s0, $0x1  }
0x3: {  	s4 =	rddreg [dreg:$0x1];
	s11 =	sand.u32 $0x1, s2;
	s3 =	sand.u32 $0x6, s3  }
0x4: {  	s10 =	rddreg [dreg:$0x2];
	s12 =	sshrl.u32 s0, $0x2;
	s13 =	sor.u32 s11, s3  }
0x5: {  	s6 =	sshll.u32 s12, $0x4;
	s3 =	simm.s32 $0x0;
	s5 =	sshll.u32 s13, $0x7  }
0x6: {  	[smem:$0x7FF] =	sst s3;
	s5 =	sor.u32 s6, s5  }
0x7: {  	s2 =	rddreg [dreg:$0x3];
	_ =	strace $0x80000047;
	s4 =	sadd.s32 s4, s5  }
0x8: {  	[tilespmem:s3], [sflag:$0x1] =	stream.linear.gather [hbm4b:s4+s3], $0x80, $0x38;
	[tilespmem:$0x8100] =	vst v63  }
0x9: {  	s7 =	simm.s32 $0x1;
	s6 =	simm.s32 $0x80;
	s5 =	sadd.s32 $0x40, s4  }
0xa: {  	[tilespmem:s6], [sflag:$0x1] =	stream.linear.gather [hbm4b:s5+s3], $0x80, $0x38;
	[tilespmem:$0x8100] =	vst v63  }
0xb: {  	_ =	swait.ge [sflag:s7], $0x80  }
0xc: {  	[sflag:s7] =	ssyncset.done $0x0  }
0xd: {  	[sflag:s7] =	ssyncadd.s32 $0xFFFFFF80  }
0xe: {  	_ =	swait.ge [sflag:s7], $0x80  }
0xf: {  	[sflag:s7] =	ssyncset.done $0x0  }
0x10: {  	s8 =	simm.s32 $0x100;
	[sflag:s7] =	ssyncadd.s32 $0xFFFFFF80  }
0x11: {  	[tilespmem:s8], [sflag:$0x1] =	stream.indirect.gather [hbm4b:s1+s6], $0x80, s3, s6, $0xb8;
	[tilespmem:$0x8100] =	vst v63  }
0x12: {  	s9 =	simm.s32 $0x4100;
	s11 =	ssub.s32 $0x2, s11  }
0x13: {  	[tilespmem:s9], [sflag:$0x1] =	stream.indirect.gather [hbm4b:s1+s6], $0x80, s6, s6, $0xb8;
	[tilespmem:$0x8100] =	vst v63  }
0x14: {  	s31 =	sshrl.u32 s11, $0x1;
	_ =	swait.ge [sflag:s7], $0x4000  }
0x15: {  	s12 =	sshll.u32 s12, $0xF;
	s11 =	ssub.s32 s11, s31;
	[sflag:s7] =	ssyncset.done $0x0  }
0x16: {  	s10 =	sadd.s32 s10, s12;
	s12 =	smax.u32 s11, $0x1;
	[sflag:s7] =	ssyncadd.s32 $0xFFFFC000  }
0x17: {  	p0 =	sne.s32 s12, $0x1;
	_ =	swait.ge [sflag:s7], $0x4000  }
.Ltmp0:
0x18: {  	s13 =	sshll.u32 s13, $0xC;
	[sflag:s7] =	ssyncset.done $0x0;
	(pc) =	sbr.rel @!p0 .LBB2_2-.Ltmp0, $4  }
0x19: {  	s10 =	sadd.s32 s13, s10;
	s11 =	simm.s32 $0x2;
	[sflag:s7] =	ssyncadd.s32 $0xFFFFC000  }
0x1a: {  	[hbm4b:s10+s3] =	stream.linear.scatter [tilespmem:s8], [sflag:$0x2], $0x8000, $0x38;
	[tilespmem:$0x8100] =	vst v63  }
0x1b: {  	_ =	swait.ge [sflag:s11], $0x8000  }
0x1c: {  	s12 =	sadd.s32 $0xFFFFFFFF, s12;
	[sflag:s11] =	ssyncset.done $0x0  }
.LBB2_1:
0x1d: {  	p0 =	sne.s32 s12, $0x1;
	s12 =	sadd.s32 $0xFFFFFFFF, s12;
	[sflag:s11] =	ssyncadd.s32 $0xFFFF8000  }
0x1e: {  	[tilespmem:s3], [sflag:$0x1] =	stream.linear.gather [hbm4b:s4+s3], $0x80, $0x38;
	[tilespmem:$0x8100] =	vst v63  }
0x1f: {  	_ = 	snop  }
0x20: {  	[tilespmem:s6], [sflag:$0x1] =	stream.linear.gather [hbm4b:s5+s3], $0x80, $0x38;
	[tilespmem:$0x8100] =	vst v63  }
0x21: {  	_ =	swait.ge [sflag:s7], $0x80  }
0x22: {  	[sflag:s7] =	ssyncset.done $0x0  }
0x23: {  	[sflag:s7] =	ssyncadd.s32 $0xFFFFFF80  }
0x24: {  	_ =	swait.ge [sflag:s7], $0x80  }
0x25: {  	[sflag:s7] =	ssyncset.done $0x0  }
0x26: {  	[sflag:s7] =	ssyncadd.s32 $0xFFFFFF80  }
0x27: {  	[tilespmem:s8], [sflag:$0x1] =	stream.indirect.gather [hbm4b:s1+s6], $0x80, s3, s6, $0xb8;
	[tilespmem:$0x8100] =	vst v63  }
0x28: {  	_ = 	snop  }
0x29: {  	[tilespmem:s9], [sflag:$0x1] =	stream.indirect.gather [hbm4b:s1+s6], $0x80, s6, s6, $0xb8;
	[tilespmem:$0x8100] =	vst v63  }
0x2a: {  	_ =	swait.ge [sflag:s7], $0x4000  }
0x2b: {  	[sflag:s7] =	ssyncset.done $0x0  }
0x2c: {  	[sflag:s7] =	ssyncadd.s32 $0xFFFFC000  }
0x2d: {  	_ =	swait.ge [sflag:s7], $0x4000  }
.Ltmp1:
0x2e: {  	[sflag:s7] =	ssyncset.done $0x0;
	(pc) =	sbr.rel @p0 .LBB2_1-.Ltmp1, $4  }
0x2f: {  	[sflag:s7] =	ssyncadd.s32 $0xFFFFC000  }
0x30: {  	[hbm4b:s10+s3] =	stream.linear.scatter [tilespmem:s8], [sflag:$0x2], $0x8000, $0x38;
	[tilespmem:$0x8100] =	vst v63  }
0x31: {  	_ =	swait.ge [sflag:s11], $0x8000  }
0x32: {  	[sflag:s11] =	ssyncset.done $0x0  }
.LBB2_2:
0x33: {  	[sflag:s11] =	ssyncadd.s32 $0xFFFF8000  }
0x34: {  	_ =	sfence.sel $0x180000  }
0x35: {  	[bflag:$0x0] =	sbarrier.arrive $0xFFFF  }
0x36: {  	p0 =	sne.s32 s0, $0x0;
	_ =	strace $0x90000047  }
0x37: {  	s0 =	sadd.s32 @!p0 $0x100000, s2;
	[bflag:$0x2] =	sbarrier.arrive $0xFFFF  }
0x38: {  	[sflag:s0] =	ssyncadd.tile.s32 @!p0 $0x1;
	_ =	shalt  }
.Lfunc_end2:
_tile_overlayer_lowered:
.L_overlay_start_2:
0x39: {  	(tag) =	ssettag $0x2  }
0x3a: {  	s0 =	rddreg [dreg:$0x0];
	s2 =	stileid.u32  }
0x3b: {  	s1 =	rddreg [dreg:$0x1];
	p0 =	sne.s32 s2, $0x0  }
0x3c: {  	s3 =	rddreg [dreg:$0x2];
	[bflag:$0x3] =	sbarrier.arrive $0xFFFF;
	s2 =	simm.s32 @!p0 $0x1C02  }
0x3d: {  	[timem:s3], [sflag:s2] =	dma.local @!p0 [hbm:s0], s1  }
0x3e: {  	s0 =	simm.s32 @!p0 $0x2  }
0x3f: {  	_ =	swait.ge @!p0 [sflag:s0], s1  }
0x40: {  	s1 =	ssub.s32 @!p0 $0x0, s1;
	[sflag:s0] =	ssyncset.done @!p0 $0x0  }
0x41: {  	[sflag:s0] =	ssyncadd.s32 @!p0 s1  }
0x42: {  	[bflag:$0x3] =	sbarrier.arrive $0xFFFF  }
0x43: {  	_ =	shalt  }

</sc_bundles>
